<compile_context>
chip_gen: v7x
topology: tpu7x:2x2x1
jax: 0.10.2.dev20260603
libtpu: 0.0.44.dev20260713+nightly
codegen_flags: <defaults>
</compile_context>

<pallas_src>
import functools

import jax
import jax.numpy as jnp
from jax import lax
from jax.experimental import pallas as pl
from jax.experimental.pallas import tpu as pltpu
from jax.experimental.pallas import tpu_sc as plsc

NUM_KEYS = 8
CARDINALITY = 100000
PER_KEY_DIM = 16
COND_DIM = 128
BATCH = 16384

NC, NS = 2, 16
NW = NC * NS

PACK_CBLK = 8192
PACK_CPAD = 106496


def _pack_body(x_ref, o_ref):
    o_ref[...] = x_ref[...].reshape(COND_DIM, PACK_CBLK).T


def _pack(t2):
    return pl.pallas_call(
        _pack_body,
        grid=(PACK_CPAD // PACK_CBLK,),
        in_specs=[
            pl.BlockSpec((NUM_KEYS, PER_KEY_DIM, PACK_CBLK), lambda j: (0, 0, j)),
        ],
        out_specs=pl.BlockSpec((PACK_CBLK, COND_DIM), lambda j: (j, 0)),
        out_shape=jax.ShapeDtypeStruct((PACK_CPAD, COND_DIM), jnp.float32),
    )(t2)


B_PER_W = BATCH // (NW // NUM_KEYS)


@functools.lru_cache(maxsize=None)
def _make_gather_rows():
    mesh = plsc.VectorSubcoreMesh(core_axis_name="c", subcore_axis_name="s")

    @functools.partial(
        pl.kernel,
        mesh=mesh,
        out_type=jax.ShapeDtypeStruct((BATCH, COND_DIM), jnp.float32),
        scratch_types=[
            pltpu.VMEM((B_PER_W,), jnp.int32),
            pltpu.VMEM((B_PER_W,), jnp.int32),
            pltpu.VMEM((B_PER_W, PER_KEY_DIM), jnp.float32),
            pltpu.SemaphoreType.DMA,
        ],
        compiler_params=pltpu.CompilerParams(use_tc_tiling_on_sc=False),
    )
    def _gather_rows(cond_hbm, table_hbm, out_hbm, c_v, idx_v, rows_v, sem):
        wid = lax.axis_index("s") * NC + lax.axis_index("c")
        k = wid % NUM_KEYS
        b0 = (wid // NUM_KEYS) * B_PER_W
        pltpu.sync_copy(cond_hbm.at[k, pl.ds(b0, B_PER_W)], c_v)

        def body(i, carry):
            idx_v[pl.ds(i * 16, 16)] = c_v[pl.ds(i * 16, 16)] * NUM_KEYS + k
            return carry

        lax.fori_loop(0, B_PER_W // 16, body, 0)
        pltpu.async_copy(table_hbm.at[idx_v], rows_v, sem).wait()
        pltpu.sync_copy(
            rows_v,
            out_hbm.at[pl.ds(b0, B_PER_W),
                       pl.ds(k * PER_KEY_DIM, PER_KEY_DIM)],
        )

    return _gather_rows


def _mlp_body(x_ref, w1_ref, b1_ref, w2_ref, b2_ref, o_ref):
    x = x_ref[...]
    h = lax.dot_general(x, w1_ref[...], (((1,), (1,)), ((), ())),
                        preferred_element_type=jnp.float32)
    h = jnp.maximum(h + b1_ref[...], 0.0)
    o = lax.dot_general(h, w2_ref[...], (((1,), (1,)), ((), ())),
                        preferred_element_type=jnp.float32)
    o_ref[...] = o + b2_ref[...]


def _mlp(x, W1, b1, W2, b2, block=4096):
    B = x.shape[0]
    return pl.pallas_call(
        _mlp_body,
        grid=(B // block,),
        in_specs=[
            pl.BlockSpec((block, COND_DIM), lambda i: (i, 0)),
            pl.BlockSpec((COND_DIM, COND_DIM), lambda i: (0, 0)),
            pl.BlockSpec((1, COND_DIM), lambda i: (0, 0)),
            pl.BlockSpec((COND_DIM, COND_DIM), lambda i: (0, 0)),
            pl.BlockSpec((1, COND_DIM), lambda i: (0, 0)),
        ],
        out_specs=pl.BlockSpec((block, COND_DIM), lambda i: (i, 0)),
        out_shape=jax.ShapeDtypeStruct((B, COND_DIM), jnp.float32),
    )(x, W1, b1.reshape(1, COND_DIM), W2, b2.reshape(1, COND_DIM))


def kernel(condition, tables, W1, b1, W2, b2):
    t2 = jnp.swapaxes(tables, 1, 2)
    fused = _pack(t2)
    table = fused.reshape(PACK_CPAD * NUM_KEYS, PER_KEY_DIM)
    cond_t = condition.T.astype(jnp.int32)
    h = _make_gather_rows()(cond_t, table)
    return _mlp(h, W1, b1, W2, b2)

# --- scband reference (transcript-rebuilt; emitter-appended) ---
"""Pipeline reference for scband-discrete-condition-encoder-86328842649657 (READ-ONLY COPY).

The authoritative reference and input builder live on the scoring server;
editing this copy changes nothing except your own understanding.
"""

import jax, jax.numpy as jnp
import numpy as np

NUM_KEYS = 8
CARDINALITY = 100000
PER_KEY_DIM = 16  # cond_dim // NUM_KEYS = 128 // 8
COND_DIM = 128
BATCH = 16384


def setup_inputs(seed: int = 0) -> dict:
    key = jax.random.key(seed)
    ks = jax.random.split(key, 6)
    condition = jax.random.randint(ks[0], (BATCH, NUM_KEYS), 0, CARDINALITY)
    # Stacked embedding tables: one [CARDINALITY, PER_KEY_DIM] table per key.
    tables = jax.random.normal(ks[1], (NUM_KEYS, CARDINALITY, PER_KEY_DIM), dtype=jnp.float32) * 0.02
    W1 = jax.random.normal(ks[2], (COND_DIM, NUM_KEYS * PER_KEY_DIM), dtype=jnp.float32) * 0.05
    b1 = jnp.zeros((COND_DIM,), dtype=jnp.float32)
    W2 = jax.random.normal(ks[3], (COND_DIM, COND_DIM), dtype=jnp.float32) * 0.05
    b2 = jnp.zeros((COND_DIM,), dtype=jnp.float32)
    return {"condition": condition, "tables": tables, "W1": W1, "b1": b1, "W2": W2, "b2": b2}


def reference(condition, tables, W1, b1, W2, b2):
    # Per-key embedding lookups (gather), then concat, then 2-layer MLP projection.
    parts = [jnp.take(tables[i], condition[:, i], axis=0) for i in range(NUM_KEYS)]
    h = jnp.concatenate(parts, axis=-1)  # [B, NUM_KEYS * PER_KEY_DIM]
    h = jnp.maximum(h @ W1.T + b1, 0.0)
    out = h @ W2.T + b2
    return out

if __name__ == "__main__":
    import jax
    _d = setup_inputs()
    print(jax.jit(kernel)(*tuple(_d.values())))

</pallas_src>

<mosaic_0001>
#map = affine_map<(d0, d1) -> (0, 0)>
module attributes {stable_mosaic.version = 14 : i64} {
  func.func @_gather_rows(%arg0: i32, %arg1: i32, %arg2: memref<8x16384xi32, #tpu.memory_space<hbm>>, %arg3: memref<851968x16xf32, #tpu.memory_space<hbm>>, %arg4: memref<16384x128xf32, #tpu.memory_space<hbm>>, %arg5: memref<4096xi32, #tpu.memory_space<vmem>>, %arg6: memref<4096xi32, #tpu.memory_space<vmem>>, %arg7: memref<4096x16xf32, #tpu.memory_space<vmem>>, %arg8: memref<!tpu.dma_semaphore, #tpu.memory_space<semaphore_mem>>) attributes {dimension_semantics = [#tpu.dimension_semantics<core_parallel>, #tpu.dimension_semantics<subcore_parallel>], iteration_bounds = array<i64: 2, 16>, scalar_prefetch = 0 : i64, scratch_operands = 4 : i64, tpu.core_type = #tpu.core_type<sc_vector_subcore>, window_params = [{transform_indices = #map}, {transform_indices = #map}, {transform_indices = #map}]} {
    %mul3A = arith.constant 2 : i32
    %mul3A_0 = arith.muli %arg1, %mul3A : i32
    %add3A = arith.addi %mul3A_0, %arg0 : i32
    %jit3A = arith.constant 8 : i32
    %eq3A = arith.constant 0 : i32
    %eq3A_1 = arith.cmpi eq, %jit3A, %eq3A : i32
    %jit3A_2 = arith.constant 1 : i32
    %select_n3A = arith.select %eq3A_1, %jit3A_2, %jit3A : i32
    %rem3A = arith.remsi %add3A, %select_n3A : i32
    %ne3A = arith.constant 0 : i32
    %ne3A_3 = arith.cmpi ne, %rem3A, %ne3A : i32
    %lt3A = arith.constant 0 : i32
    %lt3A_4 = arith.cmpi slt, %rem3A, %lt3A : i32
    %lt3A_5 = arith.constant 0 : i32
    %lt3A_6 = arith.cmpi slt, %select_n3A, %lt3A_5 : i32
    %ne3A_7 = arith.xori %lt3A_4, %lt3A_6 : i1
    %and3A = arith.andi %ne3A_7, %ne3A_3 : i1
    %add3A_8 = arith.addi %rem3A, %select_n3A : i32
    %select_n3A_9 = arith.select %and3A, %add3A_8, %rem3A : i32
    %jit3A_10 = arith.constant 8 : i32
    %div3A = arith.divsi %add3A, %jit3A_10 : i32
    %sign3A = arith.constant 0 : i32
    %sign3A_11 = arith.cmpi sgt, %add3A, %sign3A : i32
    %sign3A_12 = arith.extui %sign3A_11 : i1 to i32
    %sign3A_13 = arith.constant 0 : i32
    %sign3A_14 = arith.cmpi slt, %add3A, %sign3A_13 : i32
    %sign3A_15 = arith.extui %sign3A_14 : i1 to i32
    %sign3A_16 = arith.subi %sign3A_12, %sign3A_15 : i32
    %sign3A_17 = arith.constant 0 : i32
    %sign3A_18 = arith.cmpi sgt, %jit3A_10, %sign3A_17 : i32
    %sign3A_19 = arith.extui %sign3A_18 : i1 to i32
    %sign3A_20 = arith.constant 0 : i32
    %sign3A_21 = arith.cmpi slt, %jit3A_10, %sign3A_20 : i32
    %sign3A_22 = arith.extui %sign3A_21 : i1 to i32
    %sign3A_23 = arith.subi %sign3A_19, %sign3A_22 : i32
    %ne3A_24 = arith.cmpi ne, %sign3A_16, %sign3A_23 : i32
    %rem3A_25 = arith.remsi %add3A, %jit3A_10 : i32
    %ne3A_26 = arith.constant 0 : i32
    %ne3A_27 = arith.cmpi ne, %rem3A_25, %ne3A_26 : i32
    %and3A_28 = arith.andi %ne3A_24, %ne3A_27 : i1
    %sub3A = arith.constant 1 : i32
    %sub3A_29 = arith.subi %div3A, %sub3A : i32
    %select_n3A_30 = arith.select %and3A_28, %sub3A_29, %div3A : i32
    %mul3A_31 = arith.constant 4096 : i32
    %mul3A_32 = arith.muli %select_n3A_30, %mul3A_31 : i32
    "tpu.region"() ({
      %run_scoped3A = tpu.sem_alloc : memref<!tpu.dma_semaphore, #tpu.memory_space<semaphore_mem>>
      %dma_start3A_44 = tpu.memref_slice %arg2[%select_n3A_9, %mul3A_32] : memref<8x16384xi32, #tpu.memory_space<hbm>> -> memref<1x4096xi32, #tpu.memory_space<hbm>>
      %dma_start3A_45 = tpu.memref_squeeze %dma_start3A_44 : memref<1x4096xi32, #tpu.memory_space<hbm>> -> memref<4096xi32, #tpu.memory_space<hbm>>
      %dma_start3A_46 = tpu.memref_slice %arg2[%select_n3A_9, %mul3A_32] : memref<8x16384xi32, #tpu.memory_space<hbm>> -> memref<1x4096xi32, #tpu.memory_space<hbm>>
      %dma_start3A_47 = tpu.memref_squeeze %dma_start3A_46 : memref<1x4096xi32, #tpu.memory_space<hbm>> -> memref<4096xi32, #tpu.memory_space<hbm>>
      tpu.enqueue_dma source(%dma_start3A_47 : memref<4096xi32, #tpu.memory_space<hbm>>) target(%arg5 : memref<4096xi32, #tpu.memory_space<vmem>>) target_semaphore(%run_scoped3A : memref<!tpu.dma_semaphore, #tpu.memory_space<semaphore_mem>>)
      %dma_wait3A_48 = tpu.memref_slice %arg2[%select_n3A_9, %mul3A_32] : memref<8x16384xi32, #tpu.memory_space<hbm>> -> memref<1x4096xi32, #tpu.memory_space<hbm>>
      %dma_wait3A_49 = tpu.memref_squeeze %dma_wait3A_48 : memref<1x4096xi32, #tpu.memory_space<hbm>> -> memref<4096xi32, #tpu.memory_space<hbm>>
      %dma_wait3A_50 = tpu.memref_slice %arg2[%select_n3A_9, %mul3A_32] : memref<8x16384xi32, #tpu.memory_space<hbm>> -> memref<1x4096xi32, #tpu.memory_space<hbm>>
      %dma_wait3A_51 = tpu.memref_squeeze %dma_wait3A_50 : memref<1x4096xi32, #tpu.memory_space<hbm>> -> memref<4096xi32, #tpu.memory_space<hbm>>
      tpu.wait_dma2 semaphore(%run_scoped3A : memref<!tpu.dma_semaphore, #tpu.memory_space<semaphore_mem>>) src(%dma_wait3A_51 : memref<4096xi32, #tpu.memory_space<hbm>>) dst(%arg5 : memref<4096xi32, #tpu.memory_space<vmem>>)
      tpu.yield
    }) : () -> ()
    %scan3A = arith.constant 0 : i32
    %scan3A_33 = arith.constant 0 : i32
    %scan3A_34 = arith.constant 256 : i32
    %scan3A_35 = arith.addi %scan3A_33, %scan3A_34 : i32
    %scan3A_36 = arith.constant 1 : i32
    scf.for %scan3A_44 = %scan3A_33 to %scan3A_35 step %scan3A_36  : i32 {
      %mul3A_45 = arith.constant 16 : i32
      %mul3A_46 = arith.muli %scan3A_44, %mul3A_45 : i32
      %get3A = arith.index_cast %mul3A_46 : i32 to index
      %get3A_47 = tpu.vector_load %arg5[%get3A] {strides = array<i32>} : memref<4096xi32, #tpu.memory_space<vmem>>, vector<16xi32>,
      %get3A_48 = vector.shape_cast %get3A_47 : vector<16xi32> to vector<16xi32>
      %mul3A_49 = arith.constant 8 : i32
      %mul3A_50 = vector.broadcast %mul3A_49 : i32 to vector<16xi32>
      %mul3A_51 = arith.muli %get3A_48, %mul3A_50 : vector<16xi32>
      %add3A_52 = vector.broadcast %select_n3A_9 : i32 to vector<16xi32>
      %add3A_53 = arith.addi %mul3A_51, %add3A_52 : vector<16xi32>
      %mul3A_54 = arith.constant 16 : i32
      %mul3A_55 = arith.muli %scan3A_44, %mul3A_54 : i32
      %swap3A = arith.index_cast %mul3A_55 : i32 to index
      %swap3A_56 = tpu.vector_load %arg6[%swap3A] {strides = array<i32>} : memref<4096xi32, #tpu.memory_space<vmem>>, vector<16xi32>,
      %swap3A_57 = vector.shape_cast %swap3A_56 : vector<16xi32> to vector<16xi32>
      %swap3A_58 = vector.shape_cast %add3A_53 : vector<16xi32> to vector<16xi32>
      tpu.vector_store %arg6[%swap3A], %swap3A_58 {strides = array<i32>} : memref<4096xi32, #tpu.memory_space<vmem>>, vector<16xi32>,
    }
    %scan3A_37 = arith.constant 256 : i32
    %dma_start3A = arith.constant 0 : i32
    %dma_start3A_38 = arith.constant 0 : i32
    %dma_start3A_39 = tpu.memref_slice %arg3[%dma_start3A, %dma_start3A_38] : memref<851968x16xf32, #tpu.memory_space<hbm>> -> memref<851968x16xf32, #tpu.memory_space<hbm>>
    tpu.enqueue_indirect_dma source(%dma_start3A_39 : memref<851968x16xf32, #tpu.memory_space<hbm>>) target(%arg7 : memref<4096x16xf32, #tpu.memory_space<vmem>>) offsets(%arg6 : memref<4096xi32, #tpu.memory_space<vmem>>) semaphore(%arg8 : memref<!tpu.dma_semaphore, #tpu.memory_space<semaphore_mem>>)
    %dma_wait3A = arith.constant 0 : i32
    %dma_wait3A_40 = arith.constant 0 : i32
    %dma_wait3A_41 = tpu.memref_slice %arg3[%dma_wait3A, %dma_wait3A_40] : memref<851968x16xf32, #tpu.memory_space<hbm>> -> memref<851968x16xf32, #tpu.memory_space<hbm>>
    tpu.wait_indirect_dma semaphore(%arg8 : memref<!tpu.dma_semaphore, #tpu.memory_space<semaphore_mem>>) src(%dma_wait3A_41 : memref<851968x16xf32, #tpu.memory_space<hbm>>) dst(%arg7 : memref<4096x16xf32, #tpu.memory_space<vmem>>)
    %mul3A_42 = arith.constant 16 : i32
    %mul3A_43 = arith.muli %select_n3A_9, %mul3A_42 : i32
    "tpu.region"() ({
      %run_scoped3A = tpu.sem_alloc : memref<!tpu.dma_semaphore, #tpu.memory_space<semaphore_mem>>
      %dma_start3A_44 = tpu.memref_slice %arg4[%mul3A_32, %mul3A_43] : memref<16384x128xf32, #tpu.memory_space<hbm>> -> memref<4096x16xf32, #tpu.memory_space<hbm>>
      %dma_start3A_45 = tpu.memref_slice %arg4[%mul3A_32, %mul3A_43] : memref<16384x128xf32, #tpu.memory_space<hbm>> -> memref<4096x16xf32, #tpu.memory_space<hbm>>
      tpu.enqueue_dma source(%arg7 : memref<4096x16xf32, #tpu.memory_space<vmem>>) target(%dma_start3A_45 : memref<4096x16xf32, #tpu.memory_space<hbm>>) target_semaphore(%run_scoped3A : memref<!tpu.dma_semaphore, #tpu.memory_space<semaphore_mem>>)
      %dma_wait3A_46 = tpu.memref_slice %arg4[%mul3A_32, %mul3A_43] : memref<16384x128xf32, #tpu.memory_space<hbm>> -> memref<4096x16xf32, #tpu.memory_space<hbm>>
      %dma_wait3A_47 = tpu.memref_slice %arg4[%mul3A_32, %mul3A_43] : memref<16384x128xf32, #tpu.memory_space<hbm>> -> memref<4096x16xf32, #tpu.memory_space<hbm>>
      tpu.wait_dma2 semaphore(%run_scoped3A : memref<!tpu.dma_semaphore, #tpu.memory_space<semaphore_mem>>) src(%arg7 : memref<4096x16xf32, #tpu.memory_space<vmem>>) dst(%dma_wait3A_47 : memref<4096x16xf32, #tpu.memory_space<hbm>>)
      tpu.yield
    }) : () -> ()
    return
  }
}

module attributes {stable_mosaic.version = 14 : i64} {
  func.func @_pack_body(%arg0: i32, %arg1: memref<8x16x8192xf32, #tpu.memory_space<vmem>>, %arg2: memref<8192x128xf32, #tpu.memory_space<vmem>>) attributes {dimension_semantics = [#tpu.dimension_semantics<arbitrary>], iteration_bounds = array<i64: 13>, scalar_prefetch = 0 : i64, scratch_operands = 0 : i64, tpu.core_type = #tpu.core_type<tc>, window_params = [{transform_indices = @transform_0, window_bounds = array<i64: 8, 16, 8192>}, {transform_indices = @transform_1, window_bounds = array<i64: 8192, 128>}]} {
    %get3A = arith.constant 0 : index
    %get3A_0 = arith.constant 0 : index
    %get3A_1 = arith.constant 0 : index
    %get3A_2 = vector.load %arg1[%get3A, %get3A_0, %get3A_1] : memref<8x16x8192xf32, #tpu.memory_space<vmem>>, vector<8x16x8192xf32>
    %reshape3A = vector.shape_cast %get3A_2 : vector<8x16x8192xf32> to vector<128x8192xf32>
    %transpose3A = tpu.transpose %reshape3A, [1, 0] : vector<128x8192xf32> -> vector<8192x128xf32>
    %swap3A = arith.constant 0 : index
    %swap3A_3 = arith.constant 0 : index
    %swap3A_4 = vector.load %arg2[%swap3A, %swap3A_3] : memref<8192x128xf32, #tpu.memory_space<vmem>>, vector<8192x128xf32>
    tpu.vector_store %arg2[%swap3A, %swap3A_3], %transpose3A {strides = array<i32>} : memref<8192x128xf32, #tpu.memory_space<vmem>>, vector<8192x128xf32>,
    return
  }
  func.func @transform_0(%arg0: i32) -> (i32, i32, i32) {
    %c0_i32 = arith.constant 0 : i32
    %c0_i32_0 = arith.constant 0 : i32
    %c0_i32_1 = arith.constant 0 : i32
    return %c0_i32, %c0_i32_0, %arg0 : i32, i32, i32
  }
  func.func @transform_1(%arg0: i32) -> (i32, i32) {
    %c0_i32 = arith.constant 0 : i32
    %c0_i32_0 = arith.constant 0 : i32
    return %arg0, %c0_i32 : i32, i32
  }
}

module attributes {stable_mosaic.version = 14 : i64} {
  func.func @_mlp_body(%arg0: i32, %arg1: memref<4096x128xf32, #tpu.memory_space<vmem>>, %arg2: memref<128x128xf32, #tpu.memory_space<vmem>>, %arg3: memref<1x128xf32, #tpu.memory_space<vmem>>, %arg4: memref<128x128xf32, #tpu.memory_space<vmem>>, %arg5: memref<1x128xf32, #tpu.memory_space<vmem>>, %arg6: memref<4096x128xf32, #tpu.memory_space<vmem>>) attributes {dimension_semantics = [#tpu.dimension_semantics<arbitrary>], iteration_bounds = array<i64: 4>, scalar_prefetch = 0 : i64, scratch_operands = 0 : i64, tpu.core_type = #tpu.core_type<tc>, window_params = [{transform_indices = @transform_0, window_bounds = array<i64: 4096, 128>}, {pipeline_mode = #tpu.pipeline_mode<synchronous>, transform_indices = @transform_1, window_bounds = array<i64: 128, 128>}, {pipeline_mode = #tpu.pipeline_mode<synchronous>, transform_indices = @transform_2, window_bounds = array<i64: 1, 128>}, {pipeline_mode = #tpu.pipeline_mode<synchronous>, transform_indices = @transform_3, window_bounds = array<i64: 128, 128>}, {pipeline_mode = #tpu.pipeline_mode<synchronous>, transform_indices = @transform_4, window_bounds = array<i64: 1, 128>}, {transform_indices = @transform_5, window_bounds = array<i64: 4096, 128>}]} {
    %get3A = arith.constant 0 : index
    %get3A_0 = arith.constant 0 : index
    %get3A_1 = vector.load %arg1[%get3A, %get3A_0] : memref<4096x128xf32, #tpu.memory_space<vmem>>, vector<4096x128xf32>
    %get3A_2 = arith.constant 0 : index
    %get3A_3 = arith.constant 0 : index
    %get3A_4 = vector.load %arg2[%get3A_2, %get3A_3] : memref<128x128xf32, #tpu.memory_space<vmem>>, vector<128x128xf32>
    %dot_general3A = arith.constant dense<0.000000e+00> : vector<4096x128xf32>
    %dot_general3A_5 = tpu.matmul %get3A_1, %get3A_4, %dot_general3A {dimension_numbers = #tpu.dot_dimension_numbers<[1], [1], [0], [0], [0, 0, 1, 0], [], []>, transpose_lhs_hint = false} : vector<4096x128xf32>, vector<128x128xf32>, vector<4096x128xf32> -> vector<4096x128xf32>
    %get3A_6 = arith.constant 0 : index
    %get3A_7 = arith.constant 0 : index
    %get3A_8 = vector.load %arg3[%get3A_6, %get3A_7] : memref<1x128xf32, #tpu.memory_space<vmem>>, vector<1x128xf32>
    %add3A = vector.broadcast %get3A_8 : vector<1x128xf32> to vector<4096x128xf32>
    %add3A_9 = arith.addf %dot_general3A_5, %add3A : vector<4096x128xf32>
    %max3A = arith.constant 0.000000e+00 : f32
    %max3A_10 = vector.broadcast %max3A : f32 to vector<4096x128xf32>
    %max3A_11 = arith.maximumf %add3A_9, %max3A_10 : vector<4096x128xf32>
    %get3A_12 = arith.constant 0 : index
    %get3A_13 = arith.constant 0 : index
    %get3A_14 = vector.load %arg4[%get3A_12, %get3A_13] : memref<128x128xf32, #tpu.memory_space<vmem>>, vector<128x128xf32>
    %dot_general3A_15 = arith.constant dense<0.000000e+00> : vector<4096x128xf32>
    %dot_general3A_16 = tpu.matmul %max3A_11, %get3A_14, %dot_general3A_15 {dimension_numbers = #tpu.dot_dimension_numbers<[1], [1], [0], [0], [0, 0, 1, 0], [], []>, transpose_lhs_hint = false} : vector<4096x128xf32>, vector<128x128xf32>, vector<4096x128xf32> -> vector<4096x128xf32>
    %get3A_17 = arith.constant 0 : index
    %get3A_18 = arith.constant 0 : index
    %get3A_19 = vector.load %arg5[%get3A_17, %get3A_18] : memref<1x128xf32, #tpu.memory_space<vmem>>, vector<1x128xf32>
    %add3A_20 = vector.broadcast %get3A_19 : vector<1x128xf32> to vector<4096x128xf32>
    %add3A_21 = arith.addf %dot_general3A_16, %add3A_20 : vector<4096x128xf32>
    %swap3A = arith.constant 0 : index
    %swap3A_22 = arith.constant 0 : index
    %swap3A_23 = vector.load %arg6[%swap3A, %swap3A_22] : memref<4096x128xf32, #tpu.memory_space<vmem>>, vector<4096x128xf32>
    tpu.vector_store %arg6[%swap3A, %swap3A_22], %add3A_21 {strides = array<i32>} : memref<4096x128xf32, #tpu.memory_space<vmem>>, vector<4096x128xf32>,
    return
  }
  func.func @transform_0(%arg0: i32) -> (i32, i32) {
    %c0_i32 = arith.constant 0 : i32
    %c0_i32_0 = arith.constant 0 : i32
    return %arg0, %c0_i32 : i32, i32
  }
  func.func @transform_1(%arg0: i32) -> (i32, i32) {
    %c0_i32 = arith.constant 0 : i32
    %c0_i32_0 = arith.constant 0 : i32
    %c0_i32_1 = arith.constant 0 : i32
    return %c0_i32, %c0_i32_0 : i32, i32
  }
  func.func @transform_2(%arg0: i32) -> (i32, i32) {
    %c0_i32 = arith.constant 0 : i32
    %c0_i32_0 = arith.constant 0 : i32
    %c0_i32_1 = arith.constant 0 : i32
    return %c0_i32, %c0_i32_0 : i32, i32
  }
  func.func @transform_3(%arg0: i32) -> (i32, i32) {
    %c0_i32 = arith.constant 0 : i32
    %c0_i32_0 = arith.constant 0 : i32
    %c0_i32_1 = arith.constant 0 : i32
    return %c0_i32, %c0_i32_0 : i32, i32
  }
  func.func @transform_4(%arg0: i32) -> (i32, i32) {
    %c0_i32 = arith.constant 0 : i32
    %c0_i32_0 = arith.constant 0 : i32
    %c0_i32_1 = arith.constant 0 : i32
    return %c0_i32, %c0_i32_0 : i32, i32
  }
  func.func @transform_5(%arg0: i32) -> (i32, i32) {
    %c0_i32 = arith.constant 0 : i32
    %c0_i32_0 = arith.constant 0 : i32
    return %arg0, %c0_i32 : i32, i32
  }
}

</mosaic_0001>

<sc_bundles>
// kernel: kernel.5.cloned.1.call-start
scs
__scs_entry_jumppad:
0x0: {  	(pc) =	sbr.rel $0x88, $3  }
0x1: {  	(tag) =	ssettag $0x0;
	lr =	simm.s32 $0x1  }
0x2: {  	[smem:$0x3F9B] =	sst lr;
	_ =	strace $0xD0000000  }
0x3: {  	_ = 	snop  }
0x4: {  	_ = 	snop  }
0x5: {  	_ = 	snop  }
0x6: {  	_ = 	snop  }
0x7: {  	_ = 	snop  }
__scs_overlays_trampoline_lowered:
0x8: {  	[smem:$0x3FAA] =	sst s0  }
0x9: {  	[smem:$0x3FAB] =	sst s1  }
0xa: {  	[smem:$0x3FAC] =	sst s2  }
0xb: {  	[smem:$0x3FAD] =	sst s3  }
0xc: {  	[smem:$0x3FAE] =	sst s4  }
0xd: {  	[smem:$0x3FAF] =	sst s5  }
0xe: {  	[smem:$0x3FB0] =	sst s6  }
0xf: {  	[smem:$0x3FB1] =	sst s7  }
0x10: {  	[smem:$0x3FB2] =	sst s8  }
0x11: {  	[smem:$0x3FB3] =	sst s9;
	s0 =	simm.s32 @!p0 $0x0  }
0x12: {  	s1 =	sld [smem:$0x3F99];
	s0 =	simm.s32 @p0 $0x1  }
0x13: {  	[smem:$0x3FB4] =	sst s0;
	s0 =	simm.s32 @!p1 $0x0  }
0x14: {  	s2 =	sld [smem:$0x3F98];
	s0 =	simm.s32 @p1 $0x1  }
0x15: {  	[smem:$0x3FB5] =	sst s0;
	s0 =	simm.s32 @!p2 $0x0  }
0x16: {  	s3 =	sld [smem:$0x3FDB];
	s0 =	simm.s32 @p2 $0x1  }
0x17: {  	s4 =	simm.s32 $0x1BF5;
	[smem:$0x3FB7] =	sst s0  }
0x18: {  	s0 =	sld [smem:$0x3F9A];
	_ =	swait.ge [sflag:s4], $0x0  }
0x19: {  	s7 =	sld [smem:$0x3F9B]  }
0x1a: {  	s8 =	sadd.s32 $0xFFFFE003, lr  }
0x1b: {  	s9 =	sadd.s32 $0xFFFFFEF7, lr;
	s5 =	simm.s32 $0xFFFFFFFF;
	p2 =	slt.u32 s8, $0xFFFFF086  }
0x1c: {  	p1 =	slt.u32 s9, $0xF7A;
	s5 =	simm.s32 @!p2 $0x0  }
0x1d: {  	s5 =	simm.s32 @p1 $0x1;
	p0 =	seq.s32 s7, s2  }
0x1e: {  	s7 =	smul.u32 @!p0 $0xF7A, s2;
	p2 =	seq.s32 @!p0 s5, $0x0  }
0x1f: {  	s9 =	smul.u32 $0xF7A, s1;
	s8 =	simm.s32 @!p0 $0x1BF5;
	p2 =	por !p2, p0  }
0x20: {  	[sflag:s8] =	ssyncset.s32 @!p0 $0xFFFFF086;
	s6 =	sadd.s32 @!p0 s3, s7;
	s7 =	simm.s32 @!p0 $0x108  }
0x21: {  	s3 =	sadd.s32 s3, s9;
	s6 =	sadd.s32 @!p0 $0x88, s6;
	s7 =	simm.s32 @p2 $0x1082  }
0x22: {  	[simem:s7], [sflag:s8] =	dma.local @!p0 [hbm:s6], $0xF7A  }
0x23: {  	s9 =	sor.u32 $0xD0000000, s2;
	s6 =	simm.s32 $0x108;
	_ =	swait.ge @!p0 [sflag:s8], $0x0  }
0x24: {  	s3 =	sadd.s32 $0x88, s3;
	s6 =	simm.s32 @!p1 $0x1082;
	[sflag:s4] =	ssyncset.s32 $0xFFFFF086  }
0x25: {  	[simem:s6], [sflag:s4] =	dma.local [hbm:s3], $0xF7A  }
0x26: {  	[smem:$0x3F9B] =	sst s1;
	(tag) =	ssettag s2;
	_ =	strace s9  }
0x27: {  	s1 =	sld [smem:$0x3FAB]  }
0x28: {  	s2 =	sld [smem:$0x3FAC]  }
0x29: {  	s4 =	sld [smem:$0x3FAE]  }
0x2a: {  	p0 =	seq.s32 s5, $0x0;
	s5 =	sld [smem:$0x3FAF]  }
0x2b: {  	s6 =	sld [smem:$0x3FB0]  }
0x2c: {  	s7 =	sld [smem:$0x3FB1]  }
0x2d: {  	s3 =	simm.s32 $0x108;
	s8 =	sld [smem:$0x3FB2]  }
0x2e: {  	s3 =	simm.s32 @!p0 $0x1082;
	s9 =	sld [smem:$0x3FB3]  }
0x2f: {  	lr =	sadd.s32 s0, s3;
	s0 =	sld [smem:$0x3FAA]  }
0x30: {  	s3 =	sld [smem:$0x3FAD]  }
0x31: {  	[smem:$0x3FB6] =	sst s10  }
0x32: {  	s10 =	sld [smem:$0x3FB4];
	_ =	sdelay $0x3  }
0x33: {  	p0 =	seq.s32 s10, $0x1;
	s10 =	sld [smem:$0x3FB6];
	_ =	sdelay $0x3  }
0x34: {  	[smem:$0x3FB6] =	sst s10  }
0x35: {  	s10 =	sld [smem:$0x3FB5];
	_ =	sdelay $0x3  }
0x36: {  	p1 =	seq.s32 s10, $0x1;
	s10 =	sld [smem:$0x3FB6];
	_ =	sdelay $0x3  }
0x37: {  	[smem:$0x3FB6] =	sst s10  }
0x38: {  	s10 =	sld [smem:$0x3FB7]  }
0x39: {  	_ = 	snop;
	(pc) =	sbr.ind lr, $3  }
0x3a: {  	_ = 	snop  }
0x3b: {  	_ = 	snop  }
0x3c: {  	p2 =	seq.s32 s10, $0x1;
	s10 =	sld [smem:$0x3FB6]  }
0x3d: {  	_ =	shalt  }
0x3e: {  	_ =	shalt  }
0x3f: {  	_ =	shalt  }
0x40: {  	_ =	shalt  }
0x41: {  	_ =	shalt  }
0x42: {  	_ =	shalt  }
0x43: {  	_ =	shalt  }
0x44: {  	_ =	shalt  }
0x45: {  	_ =	shalt  }
0x46: {  	_ =	shalt  }
0x47: {  	_ =	shalt  }
0x48: {  	_ =	shalt  }
0x49: {  	_ =	shalt  }
0x4a: {  	_ =	shalt  }
0x4b: {  	_ =	shalt  }
0x4c: {  	_ =	shalt  }
0x4d: {  	_ =	shalt  }
0x4e: {  	_ =	shalt  }
0x4f: {  	_ =	shalt  }
0x50: {  	_ =	shalt  }
0x51: {  	_ =	shalt  }
0x52: {  	_ =	shalt  }
0x53: {  	_ =	shalt  }
0x54: {  	_ =	shalt  }
0x55: {  	_ =	shalt  }
0x56: {  	_ =	shalt  }
0x57: {  	_ =	shalt  }
0x58: {  	_ =	shalt  }
0x59: {  	_ =	shalt  }
0x5a: {  	_ =	shalt  }
0x5b: {  	_ =	shalt  }
0x5c: {  	_ =	shalt  }
0x5d: {  	_ =	shalt  }
0x5e: {  	_ =	shalt  }
0x5f: {  	_ =	shalt  }
0x60: {  	_ =	shalt  }
0x61: {  	_ =	shalt  }
0x62: {  	_ =	shalt  }
0x63: {  	_ =	shalt  }
0x64: {  	_ =	shalt  }
0x65: {  	_ =	shalt  }
0x66: {  	_ =	shalt  }
0x67: {  	_ =	shalt  }
0x68: {  	_ =	shalt  }
0x69: {  	_ =	shalt  }
0x6a: {  	_ =	shalt  }
0x6b: {  	_ =	shalt  }
0x6c: {  	_ =	shalt  }
0x6d: {  	_ =	shalt  }
0x6e: {  	_ =	shalt  }
0x6f: {  	_ =	shalt  }
0x70: {  	_ =	shalt  }
0x71: {  	_ =	shalt  }
0x72: {  	_ =	shalt  }
0x73: {  	_ =	shalt  }
0x74: {  	_ =	shalt  }
0x75: {  	_ =	shalt  }
0x76: {  	_ =	shalt  }
0x77: {  	_ =	shalt  }
0x78: {  	_ =	shalt  }
0x79: {  	_ =	shalt  }
0x7a: {  	_ =	shalt  }
0x7b: {  	_ =	shalt  }
0x7c: {  	_ =	shalt  }
0x7d: {  	_ =	shalt  }
0x7e: {  	_ =	shalt  }
0x7f: {  	_ =	shalt  }
0x80: {  	_ =	shalt  }
0x81: {  	_ =	shalt  }
0x82: {  	_ =	shalt  }
0x83: {  	_ =	shalt  }
0x84: {  	_ =	shalt  }
0x85: {  	_ =	shalt  }
0x86: {  	_ =	shalt  }
0x87: {  	_ =	shalt  }
.Lfunc_end0:
.L_simem_size_0:
called_computation_lowered:
.L_overlay_start_0:
0x88: {  	s2 =	sld [smem:$0x3FD9]  }
0x89: {  	s3 =	sld [smem:$0x3FFE];
	_ =	sdelay $0x1  }
0x8a: {  	s1 =	srdreg.scid  }
0x8b: {  	s0 =	sand.u32 $0x1, s1  }
0x8c: {  	s17 =	sshll.u32 s0, $0xA;
	s2 =	sadd.s32 s3, s2  }
0x8d: {  	s2 =	sadd.s32 s2, s17  }
0x8e: {  	[smem:$0x3FC2] =	sst s2  }
0x8f: {  	_ = 	snop  }
0x90: {  	s2 =	sld [smem:$0x3FD0];
	(tm) =	ssettm $0x1  }
0x91: {  	s18 =	sld [smem:$0x3FFB];
	_ =	sdelay $0x3  }
0x92: {  	_ =	strace s18  }
0x93: {  	s3 =	sld [smem:$0x3FFC];
	_ =	sdelay $0x3  }
0x94: {  	_ =	strace s3  }
0x95: {  	s3 =	sld [smem:$0x3FFD];
	_ =	sdelay $0x3  }
0x96: {  	_ =	strace s3  }
0x97: {  	_ =	strace $0x8FFFFFFF  }
0x98: {  	s19 =	sld [smem:$0x3FDB];
	_ =	sdelay $0x1  }
0x99: {  	s4 =	simm.s32 $_scs_section_size  }
0x9a: {  	s5 =	simm.s32 $_size__tile_overlayer_lowered;
	s6 =	simm.s32 $_tile_overlayer_lowered  }
0x9b: {  	s22 =	simm.s32 $0x1BFF;
	s21 =	sshll.u32 s6, $0x1;
	s3 =	sadd.s32 s4, s19  }
0x9c: {  	s7 =	simm.s32 $0x0;
	s20 =	sshll.u32 s5, $0x1;
	s5 =	sadd.s32 s21, s3  }
0x9d: {  	[timem:s7], [sflag:s22] =	dma.local [hbm:s5], s20  }
0x9e: {  	_ =	swait.ge [sflag:s22], s20  }
0x9f: {  	s4 =	ssub.s32 $0x0, s20;
	[sflag:s22] =	ssyncset.done $0x0  }
0xa0: {  	[sflag:s22] =	ssyncadd.s32 s4;
	_ =	sdelay $0x1  }
0xa1: {  	s23 =	simm.s32 $0x1B8B  }
0xa2: {  	_ =	swait.ge [sflag:s23], $0x1  }
0xa3: {  	[sflag:s23] =	ssyncset.done $0x0  }
0xa4: {  	s25 =	simm.s32 $0x1B8E;
	s24 =	sld [smem:$0x3FFE];
	[sflag:s23] =	ssyncadd.s32 $0xFFFFFFFF  }
0xa5: {  	s26 =	simm.s32 $execute0_lowered;
	[smem:$0x3FD2] =	sst s25  }
0xa6: {  	s5 =	sshll.u32 s26, $0x1;
	_ =	strace $0x80000046;
	[dreg:$0x1] =	wrdreg $0xFFFFFFFF  }
0xa7: {  	s28 =	simm.s32 $_size_execute0_lowered;
	s3 =	sadd.s32 s3, s5;
	[dreg:$0x0] =	wrdreg $0x0  }
0xa8: {  	s5 =	sshll.u32 s28, $0x1;
	[dreg:$0x2] =	wrdreg s3  }
0xa9: {  	[dreg:$0x3] =	wrdreg s5  }
0xaa: {  	[dreg:$0x4] =	wrdreg $0xC0  }
0xab: {  	_ =	task [dreg:s7], $0x5FFFF  }
0xac: {  	[dreg:$0x1] =	wrdreg $0xFFFFFFFF  }
0xad: {  	[dreg:$0x0] =	wrdreg $0x60  }
0xae: {  	[dreg:$0x2] =	wrdreg s24  }
0xaf: {  	[dreg:$0x3] =	wrdreg s2  }
0xb0: {  	[dreg:$0x4] =	wrdreg $0x9  }
0xb1: {  	_ =	task.clear_ibuf [dreg:s7], $0x5FFFF;
	_ =	strace $0x90000046  }
0xb2: {  	s29 =	simm.s32 $0x9;
	_ =	strace $0x80000048  }
0xb3: {  	_ =	swait.ge [sflag:s29], $0x1  }
0xb4: {  	[sflag:s29] =	ssyncadd.s32 $0xFFFFFFFF  }
0xb5: {  	_ =	strace $0x90000048  }
0xb6: {  	_ =	sfence  }
0xb7: {  	s30 =	sld [smem:$0x0];
	_ =	sdelay $0x2  }
0xb8: {  	s31 =	sshll.u32 s1, $0xD;
	s1 =	sshrl.u32 s1, $0x2  }
0xb9: {  	s3 =	sand.u32 $0x4000, s31;
	s1 =	sadd.s32 s1, s30  }
0xba: {  	s0 =	sor.u32 s3, s0;
	s1 =	sshll.u32 s1, $0x11  }
0xbb: {  	s0 =	sor.u32 s1, s0  }
0xbc: {  	s0 =	sadd.s32 $0x8F2B, s0  }
0xbd: {  	[sflag:s0] =	ssyncadd.remote.s32 $0x1  }
0xbe: {  	_ =	sfence.sel $0xFFFF  }
0xbf: {  	[dreg:$0x0] =	wrdreg $0xFFFFFFFF;
	(pc) =	sbr.abs _section_cstart, $3  }
0xc0: {  	[dreg:$0x1] =	wrdreg $0xFFFFFFFF  }
0xc1: {  	_ =	task.clear_ibuf [dreg:s7], $0x2FFFF;
	_ =	strace $0x9FFFFFFF  }
0xc2: {  	(tm) =	ssettm $0x7FFFFFFF  }
0xc3: {  	_ =	shalt  }
tec
execute0_lowered:
.L_overlay_start_1:
0x0: {  	(tag) =	ssettag $0x1  }
0x1: {  	s3 =	rddreg [dreg:$0x0]  }
0x2: {  	s5 =	rddreg [dreg:$0x1]  }
0x3: {  	s0 =	rddreg [dreg:$0x2];
	s2 =	simm.s32 $0x0  }
0x4: {  	s1 =	stileid.u32;
	s6 =	srdreg.scid;
	s10 =	simm.s32 $0x1  }
0x5: {  	s12 =	simm.s32 $0x80;
	s13 =	simm.s32 $0x0;
	[smem:$0x7FF] =	sst s2  }
0x6: {  	s4 =	sshrl.u32 s1, $0x2;
	s7 =	sshll.u32 s1, $0x1;
	s6 =	sand.u32 $0x1, s6  }
0x7: {  	_ =	strace $0x80000047;
	s8 =	sshll.u32 s4, $0x9;
	s7 =	sand.u32 $0x6, s7  }
0x8: {  	s9 =	ssub.s32 $0x2, s6;
	s30 =	sshll.u32 s4, $0x10;
	s8 =	sadd.s32 s8, s3  }
0x9: {  	s11 =	sor.u32 s6, s7;
	s3 =	sadd.s32 $0x4E00, s3;
	s29 =	sshrl.u32 s9, $0x1  }
0xa: {  	s5 =	sadd.s32 s5, s30;
	s7 =	sshll.u32 s11, $0xB;
	s6 =	ssub.s32 s9, s29  }
0xb: {  	s31 =	sshll.u32 s11, $0x1;
	s9 =	simm.s32 $0x2000;
	v0 =	vmov s11;
	s11 =	simm.s32 $0x10  }
0xc: {  	s7 =	sadd.s32 s7, s8;
	s5 =	sadd.s32 s31, s5;
	s6 =	smax.u32 s6, $0x1  }
0xd: {  	s8 =	simm.s32 $0x1000;
	s4 =	sadd.s32 $0xE00, s7;
	s7 =	simm.s32 $0x2  }
.LBB2_1:
0xe: {  	[tilespmem:s2], [sflag:$0x2] =	stream.linear.gather [hbm4b:s4+s2], $0x1000, $0x38;
	[tilespmem:$0x12000] =	vst v63  }
0xf: {  	_ =	swait.ge [sflag:s7], $0x1000  }
0x10: {  	[sflag:s7] =	ssyncset.done $0x0  }
0x11: {  	s14 =	simm.s32 $0x0;
	[sflag:s7] =	ssyncadd.s32 $0xFFFFF000  }
0x12: {  	v1 =	vld [tilespmem:s14+$0x0]  }
0x13: {  	s15 =	simm.s32 $0x40  }
.LBB2_2:
0x14: {  	p0 =	sne.s32 s15, $0x3FC0  }
.Ltmp0:
0x15: {  	_ = 	snop;
	(pc) =	sbr.rel @p0 .LBB2_2-.Ltmp0, $4  }
0x16: {  	_ = 	snop  }
0x17: {  	s16 =	sshra.s32 s15, $0x2;
	s15 =	sadd.s32 $0x40, s15;
	v2 =	vshll.u32 v1, $0x3  }
0x18: {  	v1 =	vld [tilespmem:s16+$0x0];
	v2 =	vor.u32 v0, v2  }
0x19: {  	[tilespmem:s14+$0x1000] =	vst v2;
	s14 =	smov.u32 s16  }
0x1a: {  	_ =	sdelay $0x2  }
0x1b: {  	v1 =	vshll.u32 v1, $0x3  }
0x1c: {  	v1 =	vor.u32 v0, v1  }
0x1d: {  	[tilespmem:s14+$0x1000] =	vst v1  }
0x1e: {  	[tilespmem:s9], [sflag:$0x1] =	stream.indirect.gather [hbm4b:s3+s8], $0x10, s8, s8, $0xb8;
	[tilespmem:$0x12000] =	vst v63  }
0x1f: {  	s13 =	sadd.s32 $0x1, s13;
	_ =	swait.ge [sflag:s10], $0x10000  }
0x20: {  	p0 =	sne.s32 s13, s6;
	[sflag:s10] =	ssyncset.done $0x0  }
.Ltmp1:
0x21: {  	[sflag:s10] =	ssyncadd.s32 $0xFFFF0000;
	(pc) =	sbr.rel @p0 .LBB2_1-.Ltmp1, $4  }
0x22: {  	[hbm4b:s5+s11] =	stream.strided.scatter [tilespmem:s9], [sflag:$0x2], $0x10000, s12, s11, $0x38;
	[tilespmem:$0x12000] =	vst v63  }
0x23: {  	_ =	swait.ge [sflag:s7], $0x10000  }
0x24: {  	[sflag:s7] =	ssyncset.done $0x0  }
0x25: {  	[sflag:s7] =	ssyncadd.s32 $0xFFFF0000  }
0x26: {  	_ =	sfence.sel $0x180000  }
0x27: {  	[bflag:$0x0] =	sbarrier.arrive $0xFFFF  }
0x28: {  	p0 =	sne.s32 s1, $0x0;
	_ =	strace $0x90000047  }
0x29: {  	s0 =	sadd.s32 @!p0 $0x100000, s0;
	[bflag:$0x2] =	sbarrier.arrive $0xFFFF  }
0x2a: {  	[sflag:s0] =	ssyncadd.tile.s32 @!p0 $0x1;
	_ =	shalt  }
.Lfunc_end2:
_tile_overlayer_lowered:
.L_overlay_start_2:
0x2b: {  	(tag) =	ssettag $0x2  }
0x2c: {  	s0 =	rddreg [dreg:$0x0];
	s2 =	stileid.u32  }
0x2d: {  	s1 =	rddreg [dreg:$0x1];
	p0 =	sne.s32 s2, $0x0  }
0x2e: {  	s3 =	rddreg [dreg:$0x2];
	[bflag:$0x3] =	sbarrier.arrive $0xFFFF;
	s2 =	simm.s32 @!p0 $0x1C02  }
0x2f: {  	[timem:s3], [sflag:s2] =	dma.local @!p0 [hbm:s0], s1  }
0x30: {  	s0 =	simm.s32 @!p0 $0x2  }
0x31: {  	_ =	swait.ge @!p0 [sflag:s0], s1  }
0x32: {  	s1 =	ssub.s32 @!p0 $0x0, s1;
	[sflag:s0] =	ssyncset.done @!p0 $0x0  }
0x33: {  	[sflag:s0] =	ssyncadd.s32 @!p0 s1  }
0x34: {  	[bflag:$0x3] =	sbarrier.arrive $0xFFFF  }
0x35: {  	_ =	shalt  }

</sc_bundles>
